<compile_context>
chip_gen: v7x
topology: tpu7x:2x2x1
jax: 0.10.2.dev20260603
libtpu: 0.0.44.dev20260713+nightly
codegen_flags: <defaults>
</compile_context>

<pallas_src>
import functools

import jax
import jax.numpy as jnp
from jax import lax
from jax.experimental import pallas as pl
from jax.experimental.pallas import tpu as pltpu
from jax.experimental.pallas import tpu_sc as plsc

POP = 1000000
DELAY = 8
NWORK = 31
CHUNK = 252 * 128
HALF = CHUNK // 2
TAIL = POP - NWORK * CHUNK

_mesh = plsc.VectorSubcoreMesh(core_axis_name="c", subcore_axis_name="s")


@functools.partial(
    pl.kernel,
    mesh=_mesh,
    out_type=jax.ShapeDtypeStruct((POP,), jnp.float32),
    scratch_types=[
        pltpu.VMEM((16,), jnp.int32),
        pltpu.VMEM((1, HALF), jnp.float32),
        pltpu.VMEM((1, HALF), jnp.float32),
        pltpu.VMEM((8, TAIL), jnp.float32),
        pltpu.SemaphoreType.DMA,
        pltpu.SemaphoreType.DMA,
        pltpu.SemaphoreType.DMA,
        pltpu.SemaphoreType.DMA,
    ],
)
def _delayed_row_copy(hist_hbm, out_hbm, idx_v, row_a, row_b, tail_v,
                      sem_ga, sem_gb, sem_oa, sem_ob):
    wid = lax.axis_index("s") * 2 + lax.axis_index("c")
    idx_v[...] = jnp.full((16,), DELAY - 1, jnp.int32)
    idx1 = idx_v.at[pl.ds(0, 1)]

    @pl.when(wid < NWORK)
    def _():
        base = wid * CHUNK
        ga = pltpu.async_copy(
            hist_hbm.at[idx1, pl.ds(base, HALF)], row_a, sem_ga)
        gb = pltpu.async_copy(
            hist_hbm.at[idx1, pl.ds(base + HALF, HALF)], row_b, sem_gb)
        ga.wait()
        oa = pltpu.async_copy(
            row_a.at[0], out_hbm.at[pl.ds(base, HALF)], sem_oa)
        gb.wait()
        ob = pltpu.async_copy(
            row_b.at[0], out_hbm.at[pl.ds(base + HALF, HALF)], sem_ob)
        oa.wait()
        ob.wait()

    @pl.when(wid == NWORK)
    def _():
        base = NWORK * CHUNK
        pltpu.sync_copy(hist_hbm.at[pl.ds(0, 8), pl.ds(base, TAIL)], tail_v)
        pltpu.sync_copy(tail_v.at[DELAY - 1], out_hbm.at[pl.ds(base, TAIL)])


def kernel(s, spike_history):
    return _delayed_row_copy(spike_history)

# --- scband reference (transcript-rebuilt; emitter-appended) ---
"""Pipeline reference for scband-simple-axon-set-51419348468387 (READ-ONLY COPY).

The authoritative reference and input builder live on the scoring server;
editing this copy changes nothing except your own understanding.
"""

import jax, jax.numpy as jnp
import numpy as np

POP = 1000000
DELAY = 8          # scalar delay -> max_delay = 8
SCALE = 1.0
IS_EXCITATORY = True


def setup_inputs(seed: int = 0) -> dict:
    key = jax.random.key(seed)
    k1, k2 = jax.random.split(key)
    # incoming spikes (0/1 activity represented as float for differentiability)
    s = jax.random.uniform(k1, (POP,), dtype=jnp.float32)
    # module buffer: spike_history of shape (max_delay, *population_shape)
    spike_history = (jax.random.uniform(k2, (DELAY, POP)) < 0.1).astype(jnp.float32)
    return {"s": s, "spike_history": spike_history}


def reference(s, spike_history):
    # update_spike_history: prepend current spikes
    hist = jnp.concatenate((s.reshape(1, -1), spike_history), axis=0)  # (DELAY+1, POP)
    # get_delayed_spikes: scalar delay -> spike_history[delay]
    delayed = hist[DELAY]
    # compute_response: e = delayed spikes; minimize_spike_history trims hist (state, not output)
    e = delayed
    # get_output(): e * scale * (2*is_excitatory - 1)
    out = e * SCALE * (2.0 * (1.0 if IS_EXCITATORY else 0.0) - 1.0)
    return out

if __name__ == "__main__":
    import jax
    _d = setup_inputs()
    print(jax.jit(kernel)(*tuple(_d.values())))

</pallas_src>

<mosaic_0001>
#map = affine_map<(d0, d1) -> (0, 0)>
#map1 = affine_map<(d0, d1) -> (0)>
module attributes {stable_mosaic.version = 14 : i64} {
  func.func @_delayed_row_copy(%arg0: i32, %arg1: i32, %arg2: memref<8x1000000xf32, #tpu.memory_space<hbm>>, %arg3: memref<1000000xf32, #tpu.memory_space<hbm>>, %arg4: memref<16xi32, #tpu.memory_space<vmem>>, %arg5: memref<1x16128xf32, #tpu.memory_space<vmem>>, %arg6: memref<1x16128xf32, #tpu.memory_space<vmem>>, %arg7: memref<8x64xf32, #tpu.memory_space<vmem>>, %arg8: memref<!tpu.dma_semaphore, #tpu.memory_space<semaphore_mem>>, %arg9: memref<!tpu.dma_semaphore, #tpu.memory_space<semaphore_mem>>, %arg10: memref<!tpu.dma_semaphore, #tpu.memory_space<semaphore_mem>>, %arg11: memref<!tpu.dma_semaphore, #tpu.memory_space<semaphore_mem>>) attributes {dimension_semantics = [#tpu.dimension_semantics<core_parallel>, #tpu.dimension_semantics<subcore_parallel>], iteration_bounds = array<i64: 2, 16>, scalar_prefetch = 0 : i64, scratch_operands = 8 : i64, tpu.core_type = #tpu.core_type<sc_vector_subcore>, window_params = [{transform_indices = #map}, {transform_indices = #map1}]} {
    %mul3A = arith.constant 2 : i32
    %mul3A_0 = arith.muli %arg1, %mul3A : i32
    %add3A = arith.addi %mul3A_0, %arg0 : i32
    %broadcast_in_dim3A = arith.constant 7 : i32
    %broadcast_in_dim3A_1 = vector.broadcast %broadcast_in_dim3A : i32 to vector<16xi32>
    %swap3A = arith.constant 0 : index
    %swap3A_2 = tpu.vector_load %arg4[%swap3A] {strides = array<i32>} : memref<16xi32, #tpu.memory_space<vmem>>, vector<16xi32>,
    %swap3A_3 = vector.shape_cast %swap3A_2 : vector<16xi32> to vector<16xi32>
    %swap3A_4 = vector.shape_cast %broadcast_in_dim3A_1 : vector<16xi32> to vector<16xi32>
    tpu.vector_store %arg4[%swap3A], %swap3A_4 {strides = array<i32>} : memref<16xi32, #tpu.memory_space<vmem>>, vector<16xi32>,
    %lt3A = arith.constant 31 : i32
    %lt3A_5 = arith.cmpi slt, %add3A, %lt3A : i32
    %convert_element_type3A = arith.extui %lt3A_5 : i1 to i32
    %cond3A = arith.constant 0 : i32
    %cond3A_6 = arith.cmpi ne, %convert_element_type3A, %cond3A : i32
    scf.if %cond3A_6 {
      %mul3A_11 = arith.constant 32256 : i32
      %mul3A_12 = arith.muli %add3A, %mul3A_11 : i32
      %dma_start3A = arith.constant 0 : i32
      %dma_start3A_13 = tpu.memref_slice %arg4[%dma_start3A] : memref<16xi32, #tpu.memory_space<vmem>> -> memref<1xi32, #tpu.memory_space<vmem>>
      %dma_start3A_14 = arith.constant 0 : i32
      %dma_start3A_15 = tpu.memref_slice %arg2[%dma_start3A_14, %mul3A_12] : memref<8x1000000xf32, #tpu.memory_space<hbm>> -> memref<8x16128xf32, #tpu.memory_space<hbm>>
      tpu.enqueue_indirect_dma source(%dma_start3A_15 : memref<8x16128xf32, #tpu.memory_space<hbm>>) target(%arg5 : memref<1x16128xf32, #tpu.memory_space<vmem>>) offsets(%dma_start3A_13 : memref<1xi32, #tpu.memory_space<vmem>>) semaphore(%arg8 : memref<!tpu.dma_semaphore, #tpu.memory_space<semaphore_mem>>)
      %add3A_16 = arith.constant 16128 : i32
      %add3A_17 = arith.addi %mul3A_12, %add3A_16 : i32
      %dma_start3A_18 = arith.constant 0 : i32
      %dma_start3A_19 = tpu.memref_slice %arg4[%dma_start3A_18] : memref<16xi32, #tpu.memory_space<vmem>> -> memref<1xi32, #tpu.memory_space<vmem>>
      %dma_start3A_20 = arith.constant 0 : i32
      %dma_start3A_21 = tpu.memref_slice %arg2[%dma_start3A_20, %add3A_17] : memref<8x1000000xf32, #tpu.memory_space<hbm>> -> memref<8x16128xf32, #tpu.memory_space<hbm>>
      tpu.enqueue_indirect_dma source(%dma_start3A_21 : memref<8x16128xf32, #tpu.memory_space<hbm>>) target(%arg6 : memref<1x16128xf32, #tpu.memory_space<vmem>>) offsets(%dma_start3A_19 : memref<1xi32, #tpu.memory_space<vmem>>) semaphore(%arg9 : memref<!tpu.dma_semaphore, #tpu.memory_space<semaphore_mem>>)
      %dma_wait3A = arith.constant 0 : i32
      %dma_wait3A_22 = tpu.memref_slice %arg4[%dma_wait3A] : memref<16xi32, #tpu.memory_space<vmem>> -> memref<1xi32, #tpu.memory_space<vmem>>
      %dma_wait3A_23 = arith.constant 0 : i32
      %dma_wait3A_24 = tpu.memref_slice %arg2[%dma_wait3A_23, %mul3A_12] : memref<8x1000000xf32, #tpu.memory_space<hbm>> -> memref<8x16128xf32, #tpu.memory_space<hbm>>
      tpu.wait_indirect_dma semaphore(%arg8 : memref<!tpu.dma_semaphore, #tpu.memory_space<semaphore_mem>>) src(%dma_wait3A_24 : memref<8x16128xf32, #tpu.memory_space<hbm>>) dst(%arg5 : memref<1x16128xf32, #tpu.memory_space<vmem>>)
      %dma_start3A_25 = arith.constant 0 : i32
      %dma_start3A_26 = arith.constant 0 : i32
      %dma_start3A_27 = tpu.memref_slice %arg5[%dma_start3A_25, %dma_start3A_26] : memref<1x16128xf32, #tpu.memory_space<vmem>> -> memref<1x16128xf32, #tpu.memory_space<vmem>>
      %dma_start3A_28 = tpu.memref_squeeze %dma_start3A_27 : memref<1x16128xf32, #tpu.memory_space<vmem>> -> memref<16128xf32, #tpu.memory_space<vmem>>
      %dma_start3A_29 = tpu.memref_slice %arg3[%mul3A_12] : memref<1000000xf32, #tpu.memory_space<hbm>> -> memref<16128xf32, #tpu.memory_space<hbm>>
      %dma_start3A_30 = tpu.memref_slice %arg3[%mul3A_12] : memref<1000000xf32, #tpu.memory_space<hbm>> -> memref<16128xf32, #tpu.memory_space<hbm>>
      %dma_start3A_31 = arith.constant 0 : i32
      %dma_start3A_32 = tpu.memref_slice %arg5[%dma_start3A_25, %dma_start3A_31] : memref<1x16128xf32, #tpu.memory_space<vmem>> -> memref<1x16128xf32, #tpu.memory_space<vmem>>
      %dma_start3A_33 = tpu.memref_squeeze %dma_start3A_32 : memref<1x16128xf32, #tpu.memory_space<vmem>> -> memref<16128xf32, #tpu.memory_space<vmem>>
      tpu.enqueue_dma source(%dma_start3A_33 : memref<16128xf32, #tpu.memory_space<vmem>>) target(%dma_start3A_30 : memref<16128xf32, #tpu.memory_space<hbm>>) target_semaphore(%arg10 : memref<!tpu.dma_semaphore, #tpu.memory_space<semaphore_mem>>)
      %dma_wait3A_34 = arith.constant 0 : i32
      %dma_wait3A_35 = tpu.memref_slice %arg4[%dma_wait3A_34] : memref<16xi32, #tpu.memory_space<vmem>> -> memref<1xi32, #tpu.memory_space<vmem>>
      %dma_wait3A_36 = arith.constant 0 : i32
      %dma_wait3A_37 = tpu.memref_slice %arg2[%dma_wait3A_36, %add3A_17] : memref<8x1000000xf32, #tpu.memory_space<hbm>> -> memref<8x16128xf32, #tpu.memory_space<hbm>>
      tpu.wait_indirect_dma semaphore(%arg9 : memref<!tpu.dma_semaphore, #tpu.memory_space<semaphore_mem>>) src(%dma_wait3A_37 : memref<8x16128xf32, #tpu.memory_space<hbm>>) dst(%arg6 : memref<1x16128xf32, #tpu.memory_space<vmem>>)
      %add3A_38 = arith.constant 16128 : i32
      %add3A_39 = arith.addi %mul3A_12, %add3A_38 : i32
      %dma_start3A_40 = arith.constant 0 : i32
      %dma_start3A_41 = arith.constant 0 : i32
      %dma_start3A_42 = tpu.memref_slice %arg6[%dma_start3A_40, %dma_start3A_41] : memref<1x16128xf32, #tpu.memory_space<vmem>> -> memref<1x16128xf32, #tpu.memory_space<vmem>>
      %dma_start3A_43 = tpu.memref_squeeze %dma_start3A_42 : memref<1x16128xf32, #tpu.memory_space<vmem>> -> memref<16128xf32, #tpu.memory_space<vmem>>
      %dma_start3A_44 = tpu.memref_slice %arg3[%add3A_39] : memref<1000000xf32, #tpu.memory_space<hbm>> -> memref<16128xf32, #tpu.memory_space<hbm>>
      %dma_start3A_45 = tpu.memref_slice %arg3[%add3A_39] : memref<1000000xf32, #tpu.memory_space<hbm>> -> memref<16128xf32, #tpu.memory_space<hbm>>
      %dma_start3A_46 = arith.constant 0 : i32
      %dma_start3A_47 = tpu.memref_slice %arg6[%dma_start3A_40, %dma_start3A_46] : memref<1x16128xf32, #tpu.memory_space<vmem>> -> memref<1x16128xf32, #tpu.memory_space<vmem>>
      %dma_start3A_48 = tpu.memref_squeeze %dma_start3A_47 : memref<1x16128xf32, #tpu.memory_space<vmem>> -> memref<16128xf32, #tpu.memory_space<vmem>>
      tpu.enqueue_dma source(%dma_start3A_48 : memref<16128xf32, #tpu.memory_space<vmem>>) target(%dma_start3A_45 : memref<16128xf32, #tpu.memory_space<hbm>>) target_semaphore(%arg11 : memref<!tpu.dma_semaphore, #tpu.memory_space<semaphore_mem>>)
      %dma_wait3A_49 = arith.constant 0 : i32
      %dma_wait3A_50 = arith.constant 0 : i32
      %dma_wait3A_51 = tpu.memref_slice %arg5[%dma_wait3A_49, %dma_wait3A_50] : memref<1x16128xf32, #tpu.memory_space<vmem>> -> memref<1x16128xf32, #tpu.memory_space<vmem>>
      %dma_wait3A_52 = tpu.memref_squeeze %dma_wait3A_51 : memref<1x16128xf32, #tpu.memory_space<vmem>> -> memref<16128xf32, #tpu.memory_space<vmem>>
      %dma_wait3A_53 = tpu.memref_slice %arg3[%mul3A_12] : memref<1000000xf32, #tpu.memory_space<hbm>> -> memref<16128xf32, #tpu.memory_space<hbm>>
      %dma_wait3A_54 = tpu.memref_slice %arg3[%mul3A_12] : memref<1000000xf32, #tpu.memory_space<hbm>> -> memref<16128xf32, #tpu.memory_space<hbm>>
      %dma_wait3A_55 = arith.constant 0 : i32
      %dma_wait3A_56 = tpu.memref_slice %arg5[%dma_wait3A_49, %dma_wait3A_55] : memref<1x16128xf32, #tpu.memory_space<vmem>> -> memref<1x16128xf32, #tpu.memory_space<vmem>>
      %dma_wait3A_57 = tpu.memref_squeeze %dma_wait3A_56 : memref<1x16128xf32, #tpu.memory_space<vmem>> -> memref<16128xf32, #tpu.memory_space<vmem>>
      tpu.wait_dma2 semaphore(%arg10 : memref<!tpu.dma_semaphore, #tpu.memory_space<semaphore_mem>>) src(%dma_wait3A_57 : memref<16128xf32, #tpu.memory_space<vmem>>) dst(%dma_wait3A_54 : memref<16128xf32, #tpu.memory_space<hbm>>)
      %dma_wait3A_58 = arith.constant 0 : i32
      %dma_wait3A_59 = arith.constant 0 : i32
      %dma_wait3A_60 = tpu.memref_slice %arg6[%dma_wait3A_58, %dma_wait3A_59] : memref<1x16128xf32, #tpu.memory_space<vmem>> -> memref<1x16128xf32, #tpu.memory_space<vmem>>
      %dma_wait3A_61 = tpu.memref_squeeze %dma_wait3A_60 : memref<1x16128xf32, #tpu.memory_space<vmem>> -> memref<16128xf32, #tpu.memory_space<vmem>>
      %dma_wait3A_62 = tpu.memref_slice %arg3[%add3A_39] : memref<1000000xf32, #tpu.memory_space<hbm>> -> memref<16128xf32, #tpu.memory_space<hbm>>
      %dma_wait3A_63 = tpu.memref_slice %arg3[%add3A_39] : memref<1000000xf32, #tpu.memory_space<hbm>> -> memref<16128xf32, #tpu.memory_space<hbm>>
      %dma_wait3A_64 = arith.constant 0 : i32
      %dma_wait3A_65 = tpu.memref_slice %arg6[%dma_wait3A_58, %dma_wait3A_64] : memref<1x16128xf32, #tpu.memory_space<vmem>> -> memref<1x16128xf32, #tpu.memory_space<vmem>>
      %dma_wait3A_66 = tpu.memref_squeeze %dma_wait3A_65 : memref<1x16128xf32, #tpu.memory_space<vmem>> -> memref<16128xf32, #tpu.memory_space<vmem>>
      tpu.wait_dma2 semaphore(%arg11 : memref<!tpu.dma_semaphore, #tpu.memory_space<semaphore_mem>>) src(%dma_wait3A_66 : memref<16128xf32, #tpu.memory_space<vmem>>) dst(%dma_wait3A_63 : memref<16128xf32, #tpu.memory_space<hbm>>)
    } else {
    }
    %eq3A = arith.constant 31 : i32
    %eq3A_7 = arith.cmpi eq, %add3A, %eq3A : i32
    %convert_element_type3A_8 = arith.extui %eq3A_7 : i1 to i32
    %cond3A_9 = arith.constant 0 : i32
    %cond3A_10 = arith.cmpi ne, %convert_element_type3A_8, %cond3A_9 : i32
    scf.if %cond3A_10 {
      "tpu.region"() ({
        %run_scoped3A_11 = tpu.sem_alloc : memref<!tpu.dma_semaphore, #tpu.memory_space<semaphore_mem>>
        %dma_start3A = arith.constant 0 : i32
        %dma_start3A_12 = arith.constant 999936 : i32
        %dma_start3A_13 = tpu.memref_slice %arg2[%dma_start3A, %dma_start3A_12] : memref<8x1000000xf32, #tpu.memory_space<hbm>> -> memref<8x64xf32, #tpu.memory_space<hbm>>
        %dma_start3A_14 = arith.constant 0 : i32
        %dma_start3A_15 = arith.constant 999936 : i32
        %dma_start3A_16 = tpu.memref_slice %arg2[%dma_start3A_14, %dma_start3A_15] : memref<8x1000000xf32, #tpu.memory_space<hbm>> -> memref<8x64xf32, #tpu.memory_space<hbm>>
        tpu.enqueue_dma source(%dma_start3A_16 : memref<8x64xf32, #tpu.memory_space<hbm>>) target(%arg7 : memref<8x64xf32, #tpu.memory_space<vmem>>) target_semaphore(%run_scoped3A_11 : memref<!tpu.dma_semaphore, #tpu.memory_space<semaphore_mem>>)
        %dma_wait3A = arith.constant 0 : i32
        %dma_wait3A_17 = arith.constant 999936 : i32
        %dma_wait3A_18 = tpu.memref_slice %arg2[%dma_wait3A, %dma_wait3A_17] : memref<8x1000000xf32, #tpu.memory_space<hbm>> -> memref<8x64xf32, #tpu.memory_space<hbm>>
        %dma_wait3A_19 = arith.constant 0 : i32
        %dma_wait3A_20 = arith.constant 999936 : i32
        %dma_wait3A_21 = tpu.memref_slice %arg2[%dma_wait3A_19, %dma_wait3A_20] : memref<8x1000000xf32, #tpu.memory_space<hbm>> -> memref<8x64xf32, #tpu.memory_space<hbm>>
        tpu.wait_dma2 semaphore(%run_scoped3A_11 : memref<!tpu.dma_semaphore, #tpu.memory_space<semaphore_mem>>) src(%dma_wait3A_21 : memref<8x64xf32, #tpu.memory_space<hbm>>) dst(%arg7 : memref<8x64xf32, #tpu.memory_space<vmem>>)
        tpu.yield
      }) : () -> ()
      %run_scoped3A = arith.constant 7 : i32
      "tpu.region"() ({
        %run_scoped3A_11 = tpu.sem_alloc : memref<!tpu.dma_semaphore, #tpu.memory_space<semaphore_mem>>
        %dma_start3A = arith.constant 0 : i32
        %dma_start3A_12 = tpu.memref_slice %arg7[%run_scoped3A, %dma_start3A] : memref<8x64xf32, #tpu.memory_space<vmem>> -> memref<1x64xf32, #tpu.memory_space<vmem>>
        %dma_start3A_13 = tpu.memref_squeeze %dma_start3A_12 : memref<1x64xf32, #tpu.memory_space<vmem>> -> memref<64xf32, #tpu.memory_space<vmem>>
        %dma_start3A_14 = arith.constant 999936 : i32
        %dma_start3A_15 = tpu.memref_slice %arg3[%dma_start3A_14] : memref<1000000xf32, #tpu.memory_space<hbm>> -> memref<64xf32, #tpu.memory_space<hbm>>
        %dma_start3A_16 = arith.constant 999936 : i32
        %dma_start3A_17 = tpu.memref_slice %arg3[%dma_start3A_16] : memref<1000000xf32, #tpu.memory_space<hbm>> -> memref<64xf32, #tpu.memory_space<hbm>>
        %dma_start3A_18 = arith.constant 0 : i32
        %dma_start3A_19 = tpu.memref_slice %arg7[%run_scoped3A, %dma_start3A_18] : memref<8x64xf32, #tpu.memory_space<vmem>> -> memref<1x64xf32, #tpu.memory_space<vmem>>
        %dma_start3A_20 = tpu.memref_squeeze %dma_start3A_19 : memref<1x64xf32, #tpu.memory_space<vmem>> -> memref<64xf32, #tpu.memory_space<vmem>>
        tpu.enqueue_dma source(%dma_start3A_20 : memref<64xf32, #tpu.memory_space<vmem>>) target(%dma_start3A_17 : memref<64xf32, #tpu.memory_space<hbm>>) target_semaphore(%run_scoped3A_11 : memref<!tpu.dma_semaphore, #tpu.memory_space<semaphore_mem>>)
        %dma_wait3A = arith.constant 0 : i32
        %dma_wait3A_21 = tpu.memref_slice %arg7[%run_scoped3A, %dma_wait3A] : memref<8x64xf32, #tpu.memory_space<vmem>> -> memref<1x64xf32, #tpu.memory_space<vmem>>
        %dma_wait3A_22 = tpu.memref_squeeze %dma_wait3A_21 : memref<1x64xf32, #tpu.memory_space<vmem>> -> memref<64xf32, #tpu.memory_space<vmem>>
        %dma_wait3A_23 = arith.constant 999936 : i32
        %dma_wait3A_24 = tpu.memref_slice %arg3[%dma_wait3A_23] : memref<1000000xf32, #tpu.memory_space<hbm>> -> memref<64xf32, #tpu.memory_space<hbm>>
        %dma_wait3A_25 = arith.constant 999936 : i32
        %dma_wait3A_26 = tpu.memref_slice %arg3[%dma_wait3A_25] : memref<1000000xf32, #tpu.memory_space<hbm>> -> memref<64xf32, #tpu.memory_space<hbm>>
        %dma_wait3A_27 = arith.constant 0 : i32
        %dma_wait3A_28 = tpu.memref_slice %arg7[%run_scoped3A, %dma_wait3A_27] : memref<8x64xf32, #tpu.memory_space<vmem>> -> memref<1x64xf32, #tpu.memory_space<vmem>>
        %dma_wait3A_29 = tpu.memref_squeeze %dma_wait3A_28 : memref<1x64xf32, #tpu.memory_space<vmem>> -> memref<64xf32, #tpu.memory_space<vmem>>
        tpu.wait_dma2 semaphore(%run_scoped3A_11 : memref<!tpu.dma_semaphore, #tpu.memory_space<semaphore_mem>>) src(%dma_wait3A_29 : memref<64xf32, #tpu.memory_space<vmem>>) dst(%dma_wait3A_26 : memref<64xf32, #tpu.memory_space<hbm>>)
        tpu.yield
      }) : () -> ()
    } else {
    }
    return
  }
}

</mosaic_0001>

<sc_bundles>
// kernel: kernel.3.cloned.1.call-start
scs
__scs_entry_jumppad:
0x0: {  	(pc) =	sbr.rel $0x88, $3  }
0x1: {  	(tag) =	ssettag $0x0;
	lr =	simm.s32 $0x1  }
0x2: {  	[smem:$0x3FA0] =	sst lr;
	_ =	strace $0xD0000000  }
0x3: {  	_ = 	snop  }
0x4: {  	_ = 	snop  }
0x5: {  	_ = 	snop  }
0x6: {  	_ = 	snop  }
0x7: {  	_ = 	snop  }
__scs_overlays_trampoline_lowered:
0x8: {  	[smem:$0x3FAF] =	sst s0  }
0x9: {  	[smem:$0x3FB0] =	sst s1  }
0xa: {  	[smem:$0x3FB1] =	sst s2  }
0xb: {  	[smem:$0x3FB2] =	sst s3  }
0xc: {  	[smem:$0x3FB3] =	sst s4  }
0xd: {  	[smem:$0x3FB4] =	sst s5  }
0xe: {  	[smem:$0x3FB5] =	sst s6  }
0xf: {  	[smem:$0x3FB6] =	sst s7  }
0x10: {  	[smem:$0x3FB7] =	sst s8  }
0x11: {  	[smem:$0x3FB8] =	sst s9;
	s0 =	simm.s32 @!p0 $0x0  }
0x12: {  	s1 =	sld [smem:$0x3F9E];
	s0 =	simm.s32 @p0 $0x1  }
0x13: {  	[smem:$0x3FB9] =	sst s0;
	s0 =	simm.s32 @!p1 $0x0  }
0x14: {  	s2 =	sld [smem:$0x3F9D];
	s0 =	simm.s32 @p1 $0x1  }
0x15: {  	[smem:$0x3FBA] =	sst s0;
	s0 =	simm.s32 @!p2 $0x0  }
0x16: {  	s3 =	sld [smem:$0x3FDB];
	s0 =	simm.s32 @p2 $0x1  }
0x17: {  	s4 =	simm.s32 $0x1BF5;
	[smem:$0x3FBC] =	sst s0  }
0x18: {  	s0 =	sld [smem:$0x3F9F];
	_ =	swait.ge [sflag:s4], $0x0  }
0x19: {  	s7 =	sld [smem:$0x3FA0]  }
0x1a: {  	s8 =	sadd.s32 $0xFFFFE003, lr  }
0x1b: {  	s9 =	sadd.s32 $0xFFFFFEF7, lr;
	s5 =	simm.s32 $0xFFFFFFFF;
	p2 =	slt.u32 s8, $0xFFFFF086  }
0x1c: {  	p1 =	slt.u32 s9, $0xF7A;
	s5 =	simm.s32 @!p2 $0x0  }
0x1d: {  	s5 =	simm.s32 @p1 $0x1;
	p0 =	seq.s32 s7, s2  }
0x1e: {  	s7 =	smul.u32 @!p0 $0xF7A, s2;
	p2 =	seq.s32 @!p0 s5, $0x0  }
0x1f: {  	s9 =	smul.u32 $0xF7A, s1;
	s8 =	simm.s32 @!p0 $0x1BF5;
	p2 =	por !p2, p0  }
0x20: {  	[sflag:s8] =	ssyncset.s32 @!p0 $0xFFFFF086;
	s6 =	sadd.s32 @!p0 s3, s7;
	s7 =	simm.s32 @!p0 $0x108  }
0x21: {  	s3 =	sadd.s32 s3, s9;
	s6 =	sadd.s32 @!p0 $0x88, s6;
	s7 =	simm.s32 @p2 $0x1082  }
0x22: {  	[simem:s7], [sflag:s8] =	dma.local @!p0 [hbm:s6], $0xF7A  }
0x23: {  	s9 =	sor.u32 $0xD0000000, s2;
	s6 =	simm.s32 $0x108;
	_ =	swait.ge @!p0 [sflag:s8], $0x0  }
0x24: {  	s3 =	sadd.s32 $0x88, s3;
	s6 =	simm.s32 @!p1 $0x1082;
	[sflag:s4] =	ssyncset.s32 $0xFFFFF086  }
0x25: {  	[simem:s6], [sflag:s4] =	dma.local [hbm:s3], $0xF7A  }
0x26: {  	[smem:$0x3FA0] =	sst s1;
	(tag) =	ssettag s2;
	_ =	strace s9  }
0x27: {  	s1 =	sld [smem:$0x3FB0]  }
0x28: {  	s2 =	sld [smem:$0x3FB1]  }
0x29: {  	s4 =	sld [smem:$0x3FB3]  }
0x2a: {  	p0 =	seq.s32 s5, $0x0;
	s5 =	sld [smem:$0x3FB4]  }
0x2b: {  	s6 =	sld [smem:$0x3FB5]  }
0x2c: {  	s7 =	sld [smem:$0x3FB6]  }
0x2d: {  	s3 =	simm.s32 $0x108;
	s8 =	sld [smem:$0x3FB7]  }
0x2e: {  	s3 =	simm.s32 @!p0 $0x1082;
	s9 =	sld [smem:$0x3FB8]  }
0x2f: {  	lr =	sadd.s32 s0, s3;
	s0 =	sld [smem:$0x3FAF]  }
0x30: {  	s3 =	sld [smem:$0x3FB2]  }
0x31: {  	[smem:$0x3FBB] =	sst s10  }
0x32: {  	s10 =	sld [smem:$0x3FB9];
	_ =	sdelay $0x3  }
0x33: {  	p0 =	seq.s32 s10, $0x1;
	s10 =	sld [smem:$0x3FBB];
	_ =	sdelay $0x3  }
0x34: {  	[smem:$0x3FBB] =	sst s10  }
0x35: {  	s10 =	sld [smem:$0x3FBA];
	_ =	sdelay $0x3  }
0x36: {  	p1 =	seq.s32 s10, $0x1;
	s10 =	sld [smem:$0x3FBB];
	_ =	sdelay $0x3  }
0x37: {  	[smem:$0x3FBB] =	sst s10  }
0x38: {  	s10 =	sld [smem:$0x3FBC]  }
0x39: {  	_ = 	snop;
	(pc) =	sbr.ind lr, $3  }
0x3a: {  	_ = 	snop  }
0x3b: {  	_ = 	snop  }
0x3c: {  	p2 =	seq.s32 s10, $0x1;
	s10 =	sld [smem:$0x3FBB]  }
0x3d: {  	_ =	shalt  }
0x3e: {  	_ =	shalt  }
0x3f: {  	_ =	shalt  }
0x40: {  	_ =	shalt  }
0x41: {  	_ =	shalt  }
0x42: {  	_ =	shalt  }
0x43: {  	_ =	shalt  }
0x44: {  	_ =	shalt  }
0x45: {  	_ =	shalt  }
0x46: {  	_ =	shalt  }
0x47: {  	_ =	shalt  }
0x48: {  	_ =	shalt  }
0x49: {  	_ =	shalt  }
0x4a: {  	_ =	shalt  }
0x4b: {  	_ =	shalt  }
0x4c: {  	_ =	shalt  }
0x4d: {  	_ =	shalt  }
0x4e: {  	_ =	shalt  }
0x4f: {  	_ =	shalt  }
0x50: {  	_ =	shalt  }
0x51: {  	_ =	shalt  }
0x52: {  	_ =	shalt  }
0x53: {  	_ =	shalt  }
0x54: {  	_ =	shalt  }
0x55: {  	_ =	shalt  }
0x56: {  	_ =	shalt  }
0x57: {  	_ =	shalt  }
0x58: {  	_ =	shalt  }
0x59: {  	_ =	shalt  }
0x5a: {  	_ =	shalt  }
0x5b: {  	_ =	shalt  }
0x5c: {  	_ =	shalt  }
0x5d: {  	_ =	shalt  }
0x5e: {  	_ =	shalt  }
0x5f: {  	_ =	shalt  }
0x60: {  	_ =	shalt  }
0x61: {  	_ =	shalt  }
0x62: {  	_ =	shalt  }
0x63: {  	_ =	shalt  }
0x64: {  	_ =	shalt  }
0x65: {  	_ =	shalt  }
0x66: {  	_ =	shalt  }
0x67: {  	_ =	shalt  }
0x68: {  	_ =	shalt  }
0x69: {  	_ =	shalt  }
0x6a: {  	_ =	shalt  }
0x6b: {  	_ =	shalt  }
0x6c: {  	_ =	shalt  }
0x6d: {  	_ =	shalt  }
0x6e: {  	_ =	shalt  }
0x6f: {  	_ =	shalt  }
0x70: {  	_ =	shalt  }
0x71: {  	_ =	shalt  }
0x72: {  	_ =	shalt  }
0x73: {  	_ =	shalt  }
0x74: {  	_ =	shalt  }
0x75: {  	_ =	shalt  }
0x76: {  	_ =	shalt  }
0x77: {  	_ =	shalt  }
0x78: {  	_ =	shalt  }
0x79: {  	_ =	shalt  }
0x7a: {  	_ =	shalt  }
0x7b: {  	_ =	shalt  }
0x7c: {  	_ =	shalt  }
0x7d: {  	_ =	shalt  }
0x7e: {  	_ =	shalt  }
0x7f: {  	_ =	shalt  }
0x80: {  	_ =	shalt  }
0x81: {  	_ =	shalt  }
0x82: {  	_ =	shalt  }
0x83: {  	_ =	shalt  }
0x84: {  	_ =	shalt  }
0x85: {  	_ =	shalt  }
0x86: {  	_ =	shalt  }
0x87: {  	_ =	shalt  }
.Lfunc_end0:
.L_simem_size_0:
called_computation_lowered:
.L_overlay_start_0:
0x88: {  	s2 =	sld [smem:$0x3FD9]  }
0x89: {  	s3 =	sld [smem:$0x3FFE];
	_ =	sdelay $0x1  }
0x8a: {  	s1 =	srdreg.scid  }
0x8b: {  	s0 =	sand.u32 $0x1, s1  }
0x8c: {  	s18 =	sshll.u32 s0, $0xA;
	s2 =	sadd.s32 s3, s2  }
0x8d: {  	s2 =	sadd.s32 s2, s18  }
0x8e: {  	[smem:$0x3FC7] =	sst s2  }
0x8f: {  	_ = 	snop  }
0x90: {  	s2 =	sld [smem:$0x3FC9]  }
0x91: {  	s19 =	sld [smem:$0x3FD0];
	(tm) =	ssettm $0x1  }
0x92: {  	s4 =	sld [smem:$0x3FFB];
	_ =	sdelay $0x3  }
0x93: {  	_ =	strace s4  }
0x94: {  	s4 =	sld [smem:$0x3FFC];
	_ =	sdelay $0x3  }
0x95: {  	_ =	strace s4  }
0x96: {  	s4 =	sld [smem:$0x3FFD];
	_ =	sdelay $0x3  }
0x97: {  	_ =	strace s4  }
0x98: {  	_ =	strace $0x8FFFFFFF  }
0x99: {  	s20 =	sld [smem:$0x3FDB];
	_ =	sdelay $0x1  }
0x9a: {  	s5 =	simm.s32 $_scs_section_size  }
0x9b: {  	s6 =	simm.s32 $_size__tile_overlayer_lowered;
	s7 =	simm.s32 $_tile_overlayer_lowered  }
0x9c: {  	s23 =	simm.s32 $0x1BFF;
	s22 =	sshll.u32 s7, $0x1;
	s4 =	sadd.s32 s5, s20  }
0x9d: {  	s8 =	simm.s32 $0x0;
	s21 =	sshll.u32 s6, $0x1;
	s6 =	sadd.s32 s22, s4  }
0x9e: {  	[timem:s8], [sflag:s23] =	dma.local [hbm:s6], s21  }
0x9f: {  	_ =	swait.ge [sflag:s23], s21  }
0xa0: {  	s5 =	ssub.s32 $0x0, s21;
	[sflag:s23] =	ssyncset.done $0x0  }
0xa1: {  	[sflag:s23] =	ssyncadd.s32 s5;
	_ =	sdelay $0x1  }
0xa2: {  	s24 =	simm.s32 $0x1B8B  }
0xa3: {  	_ =	swait.ge [sflag:s24], $0x1  }
0xa4: {  	[sflag:s24] =	ssyncset.done $0x0  }
0xa5: {  	s25 =	simm.s32 $0x1B8E;
	[sflag:s24] =	ssyncadd.s32 $0xFFFFFFFF  }
0xa6: {  	s26 =	simm.s32 $execute0_lowered;
	[smem:$0x3FD2] =	sst s25  }
0xa7: {  	s5 =	sshll.u32 s26, $0x1;
	_ =	strace $0x80000046;
	[dreg:$0x1] =	wrdreg $0xFFFFFFFF  }
0xa8: {  	s28 =	simm.s32 $_size_execute0_lowered;
	s4 =	sadd.s32 s4, s5;
	[dreg:$0x0] =	wrdreg $0x0  }
0xa9: {  	s5 =	sshll.u32 s28, $0x1;
	[dreg:$0x2] =	wrdreg s4  }
0xaa: {  	[dreg:$0x3] =	wrdreg s5  }
0xab: {  	[dreg:$0x4] =	wrdreg $0xC0  }
0xac: {  	_ =	task [dreg:s8], $0x5FFFF  }
0xad: {  	[dreg:$0x1] =	wrdreg $0xFFFFFFFF  }
0xae: {  	[dreg:$0x0] =	wrdreg $0x60  }
0xaf: {  	[dreg:$0x2] =	wrdreg s2  }
0xb0: {  	[dreg:$0x3] =	wrdreg s19  }
0xb1: {  	[dreg:$0x4] =	wrdreg $0x9  }
0xb2: {  	_ =	task.clear_ibuf [dreg:s8], $0x5FFFF;
	_ =	strace $0x90000046  }
0xb3: {  	s29 =	simm.s32 $0x9;
	_ =	strace $0x80000048  }
0xb4: {  	_ =	swait.ge [sflag:s29], $0x1  }
0xb5: {  	[sflag:s29] =	ssyncadd.s32 $0xFFFFFFFF  }
0xb6: {  	_ =	strace $0x90000048  }
0xb7: {  	_ =	sfence  }
0xb8: {  	s30 =	sld [smem:$0x0];
	_ =	sdelay $0x2  }
0xb9: {  	s31 =	sshll.u32 s1, $0xD;
	s1 =	sshrl.u32 s1, $0x2  }
0xba: {  	s3 =	sand.u32 $0x4000, s31;
	s1 =	sadd.s32 s1, s30  }
0xbb: {  	s0 =	sor.u32 s3, s0;
	s1 =	sshll.u32 s1, $0x11  }
0xbc: {  	s0 =	sor.u32 s1, s0  }
0xbd: {  	s0 =	sadd.s32 $0x8F2B, s0  }
0xbe: {  	[sflag:s0] =	ssyncadd.remote.s32 $0x1  }
0xbf: {  	_ =	sfence.sel $0xFFFF  }
0xc0: {  	[dreg:$0x0] =	wrdreg $0xFFFFFFFF;
	(pc) =	sbr.abs _section_cstart, $3  }
0xc1: {  	[dreg:$0x1] =	wrdreg $0xFFFFFFFF  }
0xc2: {  	_ =	task.clear_ibuf [dreg:s8], $0x2FFFF;
	_ =	strace $0x9FFFFFFF  }
0xc3: {  	(tm) =	ssettm $0x7FFFFFFF  }
tec
execute0_lowered:
.L_overlay_start_1:
0x0: {  	(tag) =	ssettag $0x1  }
0x1: {  	s0 =	rddreg [dreg:$0x0]  }
0x2: {  	s1 =	srdreg.scid;
	s2 =	stileid.u32  }
0x3: {  	s8 =	rddreg [dreg:$0x1];
	s11 =	simm.s32 $0x5;
	s13 =	simm.s32 $0x80  }
0x4: {  	s25 =	simm.s32 $0x3080;
	s26 =	simm.s32 $0x3880;
	s28 =	simm.s32 $0x3F80  }
0x5: {  	s29 =	simm.s32 $0x4780;
	s30 =	simm.s32 $0x4F80;
	s31 =	simm.s32 $0x5780  }
0x6: {  	s12 =	simm.s32 $0x7780;
	s15 =	simm.s32 $0x1;
	s17 =	simm.s32 $0x2  }
0x7: {  	s19 =	simm.s32 $0x3;
	s1 =	sand.u32 $0x1, s1;
	s2 =	sshll.u32 s2, $0x1  }
0x8: {  	s21 =	simm.s32 $0x4;
	s10 =	sor.u32 s1, s2;
	s2 =	simm.s32 $0x0  }
0x9: {  	s1 =	ssub.s32 $0x2, s1;
	s4 =	smul.u32 $0x7E00, s10;
	[smem:$0x7FF] =	sst s2  }
0xa: {  	s3 =	sshrl.u32 s1, $0x1;
	p0 =	seq.s32 s10, $0x1F;
	s10 =	simm.s32 $0x6F80  }
0xb: {  	_ =	strace $0x80000047;
	s1 =	ssub.s32 s1, s3;
	s5 =	sadd.s32 $0x3F00, s4  }
0xc: {  	s3 =	sadd.s32 s0, s4;
	s6 =	sshrl.u32 s4, $0x3;
	s9 =	smax.u32 s1, $0x1  }
.Ltmp0:
0xd: {  	s1 =	simm.s32 $0x5F80;
	s7 =	sshrl.u32 s5, $0x3;
	(pc) =	sbr.rel .LBB2_1-.Ltmp0, $4  }
0xe: {  	s4 =	sadd.s32 s0, s5;
	s5 =	sadd.s32 s8, s6;
	s14 =	sadd.s32 $0x800, s3  }
0xf: {  	s16 =	sadd.s32 $0x1000, s3;
	s18 =	sadd.s32 $0x1800, s3;
	s20 =	sadd.s32 $0x2000, s3  }
0x10: {  	v0 =	vimm.s32 $0x7;
	v1 =	vimm.s32 $0x0;
	v2 =	vlaneseq.u32;
	s22 =	sadd.s32 $0x2800, s3;
	s24 =	sadd.s32 $0x3000, s3;
	s6 =	sadd.s32 s8, s7  }
0x11: {  	vm0 =	vmmov $0xffff;
	vm1 =	vmmov $0x3fff;
	v2 =	vmul.u32 $0x8, v2;
	s7 =	sadd.s32 $0xF4200, s0;
	s8 =	sadd.s32 $0x1E840, s8;
	s0 =	simm.s32 $0x6780  }
.LBB2_3:
0x12: {  	s23 =	simm.s32 $0x7E80  }
0x13: {  	[tilespmem:s23], [sflag:$0x5] =	stream.linear.gather [hbm4b:s7+s2], $0x400, $0x38;
	[tilespmem:$0x8280] =	vst v63  }
0x14: {  	_ =	swait.ge [sflag:s11], $0x400  }
0x15: {  	[sflag:s11] =	ssyncset.done $0x0  }
0x16: {  	s23 =	simm.s32 $0x8200;
	[sflag:s11] =	ssyncadd.s32 $0xFFFFFC00  }
0x17: {  	[hbm4b:s8+s2] =	stream.linear.scatter [tilespmem:s23], [sflag:$0x5], $0x40, $0x38;
	[tilespmem:$0x8280] =	vst v63  }
0x18: {  	_ =	swait.ge [sflag:s11], $0x40  }
0x19: {  	[sflag:s11] =	ssyncset.done $0x0  }
0x1a: {  	[sflag:s11] =	ssyncadd.s32 $0xFFFFFFC0  }
.LBB2_4:
0x1b: {  	s9 =	sadd.s32 $0xFFFFFFFF, s9  }
0x1c: {  	p1 =	sne.s32 s9, $0x0  }
.Ltmp1:
0x1d: {  	_ = 	snop;
	(pc) =	sbr.rel @!p1 .LBB2_5-.Ltmp1, $1  }
0x1e: {  	_ =	sdelay $0x3  }
.LBB2_1:
.Ltmp2:
0x1f: {  	(pc) =	sbr.rel @p0 .LBB2_3-.Ltmp2, $2  }
0x20: {  	_ =	sdelay $0x2  }
0x21: {  	[tilespmem:$0x0] =	vst v0  }
0x22: {  	v3 =	vld.msk [tilespmem:$0x0], $0x1;
	_ =	sdelay $0x4  }
0x23: {  	v4 =	vshrl.u32 v3, $0x3  }
0x24: {  	v4 =	vmul.u32 $0xF428, v4  }
0x25: {  	v3 =	vand.u32 $0x7, v3  }
0x26: {  	v3 =	vor.u32 v3, v4  }
0x27: {  	v3 =	vperm.xlane v3, v1;
	_ =	sdelay $0x1  }
0x28: {  	v3 =	vadd.s32 v2, v3;
	_ =	sdelay $0x4  }
0x29: {  	[tilespmem:s13], [sflag:$0x1] =	stream.indirect_vreg.gather [hbm4b:s3+s2], $0x80, v3, vm0, $0xb8;
	[tilespmem:$0x8280] =	vst v63  }
0x2a: {  	s23 =	simm.s32 $0x880  }
0x2b: {  	[tilespmem:s23], [sflag:$0x1] =	stream.indirect_vreg.gather [hbm4b:s14+s2], $0x80, v3, vm0, $0xb8;
	[tilespmem:$0x8280] =	vst v63  }
0x2c: {  	s23 =	simm.s32 $0x1080  }
0x2d: {  	[tilespmem:s23], [sflag:$0x1] =	stream.indirect_vreg.gather [hbm4b:s16+s2], $0x80, v3, vm0, $0xb8;
	[tilespmem:$0x8280] =	vst v63  }
0x2e: {  	s23 =	simm.s32 $0x1880  }
0x2f: {  	[tilespmem:s23], [sflag:$0x1] =	stream.indirect_vreg.gather [hbm4b:s18+s2], $0x80, v3, vm0, $0xb8;
	[tilespmem:$0x8280] =	vst v63  }
0x30: {  	s23 =	simm.s32 $0x2080  }
0x31: {  	[tilespmem:s23], [sflag:$0x1] =	stream.indirect_vreg.gather [hbm4b:s20+s2], $0x80, v3, vm0, $0xb8;
	[tilespmem:$0x8280] =	vst v63  }
0x32: {  	s23 =	simm.s32 $0x2880  }
0x33: {  	[tilespmem:s23], [sflag:$0x1] =	stream.indirect_vreg.gather [hbm4b:s22+s2], $0x80, v3, vm0, $0xb8;
	[tilespmem:$0x8280] =	vst v63  }
0x34: {  	_ = 	snop  }
0x35: {  	[tilespmem:s25], [sflag:$0x1] =	stream.indirect_vreg.gather [hbm4b:s24+s2], $0x80, v3, vm0, $0xb8;
	[tilespmem:$0x8280] =	vst v63  }
0x36: {  	s23 =	sadd.s32 $0x3800, s3  }
0x37: {  	[tilespmem:s26], [sflag:$0x1] =	stream.indirect_vreg.gather [hbm4b:s23+s2], $0x80, v3, vm1, $0xb8;
	[tilespmem:$0x8280] =	vst v63  }
0x38: {  	v3 =	vld.msk [tilespmem:$0x0], $0x1;
	_ =	sdelay $0x4  }
0x39: {  	v63 =	vshrl.u32 v3, $0x3  }
0x3a: {  	v4 =	vmul.u32 $0xF428, v63  }
0x3b: {  	v3 =	vand.u32 $0x7, v3  }
0x3c: {  	v3 =	vor.u32 v3, v4  }
0x3d: {  	v3 =	vperm.xlane v3, v1;
	_ =	sdelay $0x1  }
0x3e: {  	v3 =	vadd.s32 v2, v3;
	_ =	sdelay $0x4  }
0x3f: {  	[tilespmem:s28], [sflag:$0x2] =	stream.indirect_vreg.gather [hbm4b:s4+s2], $0x80, v3, vm0, $0xb8;
	[tilespmem:$0x8280] =	vst v63  }
0x40: {  	s23 =	sadd.s32 $0x800, s4  }
0x41: {  	[tilespmem:s29], [sflag:$0x2] =	stream.indirect_vreg.gather [hbm4b:s23+s2], $0x80, v3, vm0, $0xb8;
	[tilespmem:$0x8280] =	vst v63  }
0x42: {  	s23 =	sadd.s32 $0x1000, s4  }
0x43: {  	[tilespmem:s30], [sflag:$0x2] =	stream.indirect_vreg.gather [hbm4b:s23+s2], $0x80, v3, vm0, $0xb8;
	[tilespmem:$0x8280] =	vst v63  }
0x44: {  	s23 =	sadd.s32 $0x1800, s4  }
0x45: {  	[tilespmem:s31], [sflag:$0x2] =	stream.indirect_vreg.gather [hbm4b:s23+s2], $0x80, v3, vm0, $0xb8;
	[tilespmem:$0x8280] =	vst v63  }
0x46: {  	s23 =	sadd.s32 $0x2000, s4  }
0x47: {  	[tilespmem:s1], [sflag:$0x2] =	stream.indirect_vreg.gather [hbm4b:s23+s2], $0x80, v3, vm0, $0xb8;
	[tilespmem:$0x8280] =	vst v63  }
0x48: {  	s23 =	sadd.s32 $0x2800, s4  }
0x49: {  	[tilespmem:s0], [sflag:$0x2] =	stream.indirect_vreg.gather [hbm4b:s23+s2], $0x80, v3, vm0, $0xb8;
	[tilespmem:$0x8280] =	vst v63  }
0x4a: {  	s23 =	sadd.s32 $0x3000, s4  }
0x4b: {  	[tilespmem:s10], [sflag:$0x2] =	stream.indirect_vreg.gather [hbm4b:s23+s2], $0x80, v3, vm0, $0xb8;
	[tilespmem:$0x8280] =	vst v63  }
0x4c: {  	s23 =	sadd.s32 $0x3800, s4  }
0x4d: {  	[tilespmem:s12], [sflag:$0x2] =	stream.indirect_vreg.gather [hbm4b:s23+s2], $0x80, v3, vm1, $0xb8;
	[tilespmem:$0x8280] =	vst v63  }
0x4e: {  	_ =	swait.ge [sflag:s15], $0x3F00  }
0x4f: {  	[sflag:s15] =	ssyncset.done $0x0  }
0x50: {  	[sflag:s15] =	ssyncadd.s32 $0xFFFFC100  }
0x51: {  	[hbm4b:s5+s2] =	stream.linear.scatter [tilespmem:s13], [sflag:$0x3], $0x3F00, $0x38;
	[tilespmem:$0x8280] =	vst v63  }
0x52: {  	_ =	swait.ge [sflag:s17], $0x3F00  }
0x53: {  	[sflag:s17] =	ssyncset.done $0x0  }
0x54: {  	[sflag:s17] =	ssyncadd.s32 $0xFFFFC100  }
0x55: {  	[hbm4b:s6+s2] =	stream.linear.scatter [tilespmem:s28], [sflag:$0x4], $0x3F00, $0x38;
	[tilespmem:$0x8280] =	vst v63  }
0x56: {  	_ =	swait.ge [sflag:s19], $0x3F00  }
.Ltmp3:
0x57: {  	[sflag:s19] =	ssyncset.done $0x0;
	(pc) =	sbr.rel .LBB2_4-.Ltmp3, $4  }
0x58: {  	[sflag:s19] =	ssyncadd.s32 $0xFFFFC100  }
0x59: {  	_ =	swait.ge [sflag:s21], $0x3F00  }
0x5a: {  	[sflag:s21] =	ssyncset.done $0x0  }
0x5b: {  	[sflag:s21] =	ssyncadd.s32 $0xFFFFC100  }
.LBB2_5:
0x5c: {  	_ =	sfence.sel $0x180000  }
0x5d: {  	[bflag:$0x0] =	sbarrier.arrive $0xFFFF  }
0x5e: {  	_ =	strace $0x90000047  }
0x5f: {  	s0 =	stileid.u32;
	[bflag:$0x2] =	sbarrier.arrive $0xFFFF  }
0x60: {  	p0 =	sne.s32 s0, $0x0;
	s0 =	rddreg [dreg:$0x2]  }
0x61: {  	s0 =	sadd.s32 @!p0 $0x100000, s0  }
0x62: {  	[sflag:s0] =	ssyncadd.tile.s32 @!p0 $0x1;
	_ =	shalt  }
.Lfunc_end2:
_tile_overlayer_lowered:
.L_overlay_start_2:
0x63: {  	(tag) =	ssettag $0x2  }
0x64: {  	s0 =	rddreg [dreg:$0x0];
	s2 =	stileid.u32  }
0x65: {  	s1 =	rddreg [dreg:$0x1];
	p0 =	sne.s32 s2, $0x0  }
0x66: {  	s3 =	rddreg [dreg:$0x2];
	[bflag:$0x3] =	sbarrier.arrive $0xFFFF;
	s2 =	simm.s32 @!p0 $0x1C05  }
0x67: {  	[timem:s3], [sflag:s2] =	dma.local @!p0 [hbm:s0], s1  }
0x68: {  	s0 =	simm.s32 @!p0 $0x5  }
0x69: {  	_ =	swait.ge @!p0 [sflag:s0], s1  }
0x6a: {  	s1 =	ssub.s32 @!p0 $0x0, s1;
	[sflag:s0] =	ssyncset.done @!p0 $0x0  }
0x6b: {  	[sflag:s0] =	ssyncadd.s32 @!p0 s1  }
0x6c: {  	[bflag:$0x3] =	sbarrier.arrive $0xFFFF  }
0x6d: {  	_ =	shalt  }

</sc_bundles>
